<compile_context>
chip_gen: v7x
topology: tpu7x:2x2x1
jax: 0.10.2.dev20260603
libtpu: 0.0.44.dev20260713+nightly
codegen_flags: <defaults>
</compile_context>

<pallas_src>
import functools

import jax
import jax.numpy as jnp
from jax import lax
from jax.experimental import pallas as pl
from jax.experimental.pallas import tpu as pltpu
from jax.experimental.pallas import tpu_sc as plsc

_FH, _FW = 3, 5
_S = 14
_WIN = _FH * _FW
_W = 224
_SPAN = 672


def _body(xx_hbm, out_hbm, buf, stage):
    i = lax.axis_index("s")
    base = (_S * i) * _W
    pltpu.sync_copy(xx_hbm.at[pl.ds(base, _SPAN)], buf)

    lane = lax.iota(jnp.int32, 16)
    cols = _S * lane
    acc = jnp.zeros((16,), jnp.float32)
    for dy in range(_FH):
        for dx in range(_FW):
            vals = plsc.load_gather(buf, [cols + (dy * _W + dx)])
            acc = acc + jnp.where(vals <= 0.0, 1.0, 0.0)

    plsc.store_scatter(stage, [2 * lane], acc)
    plsc.store_scatter(stage, [2 * lane + 1], float(_WIN) - acc)
    pltpu.sync_copy(stage, out_hbm.at[pl.ds(i * 32, 32)])


@functools.cache
def _k():
    return functools.partial(
        pl.kernel,
        out_type=jax.ShapeDtypeStruct((512,), jnp.float32),
        mesh=plsc.VectorSubcoreMesh(
            core_axis_name="c", subcore_axis_name="s", num_cores=1
        ),
        compiler_params=pltpu.CompilerParams(needs_layout_passes=False, disable_bounds_checks=True, disable_semaphore_checks=True),
        scratch_types=[
            pltpu.VMEM((_SPAN,), jnp.float32),
            pltpu.VMEM((32,), jnp.float32),
        ],
    )(_body)


def kernel(xx):
    return _k()(xx.reshape(-1)).reshape(16, 16, 2)

# --- scband reference (transcript-rebuilt; emitter-appended) ---
"""Pipeline reference for scband-hist-layer-31980326486793 (READ-ONLY COPY).

The authoritative reference and input builder live on the scoring server;
editing this copy changes nothing except your own understanding.
"""

import jax, jax.numpy as jnp
import numpy as np

D_IN = (224, 224)
FILT = (3, 5)
STRIDE = (14, 14)
PADDING = 0
HIST_BINS = jnp.array([0.0, 0.7], dtype=jnp.float32)
NUM_BINS = 2
D_OUT = ((D_IN[0] - FILT[0] + 2 * PADDING) // STRIDE[0] + 1,
         (D_IN[1] - FILT[1] + 2 * PADDING) // STRIDE[1] + 1)


def setup_inputs(seed: int = 0) -> dict:
    key = jax.random.key(seed)
    xx = jax.random.normal(key, D_IN, dtype=jnp.float32)
    return {"xx": xx}


def reference(xx):
    # Sliding-window histogram layer.
    # For each output cell (i, j), take the FILT-sized window at
    # (i*stride, j*stride) and count, per bin k, the number of pixels whose
    # first matching bin (v <= histBins[k]) is k; pixels above the last bin
    # edge are counted in the last bin (matching the torch break/fallthrough
    # semantics of bin_img, where k retains numBins-1 when no bin matches).
    Oh, Ow = D_OUT
    Fh, Fw = FILT
    Sh, Sw = STRIDE
    ii = (jnp.arange(Oh) * Sh)[:, None] + jnp.arange(Fh)[None, :]  # [Oh, Fh]
    jj = (jnp.arange(Ow) * Sw)[:, None] + jnp.arange(Fw)[None, :]  # [Ow, Fw]
    # Gather all windows: [Oh, Ow, Fh, Fw]
    windows = xx[ii[:, None, :, None], jj[None, :, None, :]]
    # First bin k with value <= histBins[k]
    le = windows[..., None] <= HIST_BINS  # [Oh, Ow, Fh, Fw, K]
    kidx = jnp.argmax(le, axis=-1)
    kidx = jnp.where(jnp.any(le, axis=-1), kidx, NUM_BINS - 1)
    onehot = (kidx[..., None] == jnp.arange(NUM_BINS)).astype(jnp.float32)
    output = onehot.reshape(Oh, Ow, Fh * Fw, NUM_BINS).sum(axis=2)
    return output  # [Oh, Ow, numBins]

if __name__ == "__main__":
    import jax
    _d = setup_inputs()
    print(jax.jit(kernel)(*tuple(_d.values())))

</pallas_src>

<mosaic_0001>
#map = affine_map<(d0, d1) -> (0)>
module attributes {stable_mosaic.version = 14 : i64} {
  func.func @_body(%arg0: i32, %arg1: i32, %arg2: memref<50176xf32, #tpu.memory_space<hbm>>, %arg3: memref<512xf32, #tpu.memory_space<hbm>>, %arg4: memref<672xf32, #tpu.memory_space<vmem>>, %arg5: memref<32xf32, #tpu.memory_space<vmem>>) attributes {dimension_semantics = [#tpu.dimension_semantics<core_parallel>, #tpu.dimension_semantics<subcore_parallel>], iteration_bounds = array<i64: 1, 16>, scalar_prefetch = 0 : i64, scratch_operands = 2 : i64, tpu.core_type = #tpu.core_type<sc_vector_subcore>, window_params = [{transform_indices = #map}, {transform_indices = #map}]} {
    %mul3A = arith.constant 14 : i32
    %mul3A_0 = arith.muli %mul3A, %arg1 : i32
    %mul3A_1 = arith.constant 224 : i32
    %mul3A_2 = arith.muli %mul3A_0, %mul3A_1 : i32
    "tpu.region"() ({
      %run_scoped3A = tpu.sem_alloc : memref<!tpu.dma_semaphore, #tpu.memory_space<semaphore_mem>>
      %dma_start3A = tpu.memref_slice %arg2[%mul3A_2] : memref<50176xf32, #tpu.memory_space<hbm>> -> memref<672xf32, #tpu.memory_space<hbm>>
      %dma_start3A_210 = tpu.memref_slice %arg2[%mul3A_2] : memref<50176xf32, #tpu.memory_space<hbm>> -> memref<672xf32, #tpu.memory_space<hbm>>
      tpu.enqueue_dma source(%dma_start3A_210 : memref<672xf32, #tpu.memory_space<hbm>>) target(%arg4 : memref<672xf32, #tpu.memory_space<vmem>>) target_semaphore(%run_scoped3A : memref<!tpu.dma_semaphore, #tpu.memory_space<semaphore_mem>>)
      %dma_wait3A = tpu.memref_slice %arg2[%mul3A_2] : memref<50176xf32, #tpu.memory_space<hbm>> -> memref<672xf32, #tpu.memory_space<hbm>>
      %dma_wait3A_211 = tpu.memref_slice %arg2[%mul3A_2] : memref<50176xf32, #tpu.memory_space<hbm>> -> memref<672xf32, #tpu.memory_space<hbm>>
      tpu.wait_dma2 semaphore(%run_scoped3A : memref<!tpu.dma_semaphore, #tpu.memory_space<semaphore_mem>>) src(%dma_wait3A_211 : memref<672xf32, #tpu.memory_space<hbm>>) dst(%arg4 : memref<672xf32, #tpu.memory_space<vmem>>)
      tpu.yield
    }) : () -> ()
    %iota3A = tpu.iota {dimensions = array<i32: 0>} : vector<16xi32>
    %mul3A_3 = arith.constant 14 : i32
    %mul3A_4 = vector.broadcast %mul3A_3 : i32 to vector<16xi32>
    %mul3A_5 = arith.muli %mul3A_4, %iota3A : vector<16xi32>
    %broadcast_in_dim3A = arith.constant 0.000000e+00 : f32
    %broadcast_in_dim3A_6 = vector.broadcast %broadcast_in_dim3A : f32 to vector<16xf32>
    %add3A = arith.constant 0 : i32
    %add3A_7 = vector.broadcast %add3A : i32 to vector<16xi32>
    %add3A_8 = arith.addi %mul3A_5, %add3A_7 : vector<16xi32>
    %gather3A = tpu.vector_load_idx %arg4[%add3A_8] : memref<672xf32, #tpu.memory_space<vmem>>[vector<16xi32>], vector<16xf32>,
    %le3A = arith.constant 0.000000e+00 : f32
    %le3A_9 = vector.broadcast %le3A : f32 to vector<16xf32>
    %le3A_10 = arith.cmpf ole, %gather3A, %le3A_9 : vector<16xf32>
    %jit3A = arith.constant 1.000000e+00 : f32
    %jit3A_11 = arith.constant 0.000000e+00 : f32
    %broadcast_in_dim3A_12 = vector.broadcast %jit3A : f32 to vector<16xf32>
    %broadcast_in_dim3A_13 = vector.broadcast %jit3A_11 : f32 to vector<16xf32>
    %select_n3A = arith.select %le3A_10, %broadcast_in_dim3A_12, %broadcast_in_dim3A_13 : vector<16xi1>, vector<16xf32>
    %add3A_14 = arith.addf %broadcast_in_dim3A_6, %select_n3A : vector<16xf32>
    %add3A_15 = arith.constant 1 : i32
    %add3A_16 = vector.broadcast %add3A_15 : i32 to vector<16xi32>
    %add3A_17 = arith.addi %mul3A_5, %add3A_16 : vector<16xi32>
    %gather3A_18 = tpu.vector_load_idx %arg4[%add3A_17] : memref<672xf32, #tpu.memory_space<vmem>>[vector<16xi32>], vector<16xf32>,
    %le3A_19 = arith.constant 0.000000e+00 : f32
    %le3A_20 = vector.broadcast %le3A_19 : f32 to vector<16xf32>
    %le3A_21 = arith.cmpf ole, %gather3A_18, %le3A_20 : vector<16xf32>
    %jit3A_22 = arith.constant 1.000000e+00 : f32
    %jit3A_23 = arith.constant 0.000000e+00 : f32
    %broadcast_in_dim3A_24 = vector.broadcast %jit3A_22 : f32 to vector<16xf32>
    %broadcast_in_dim3A_25 = vector.broadcast %jit3A_23 : f32 to vector<16xf32>
    %select_n3A_26 = arith.select %le3A_21, %broadcast_in_dim3A_24, %broadcast_in_dim3A_25 : vector<16xi1>, vector<16xf32>
    %add3A_27 = arith.addf %add3A_14, %select_n3A_26 : vector<16xf32>
    %add3A_28 = arith.constant 2 : i32
    %add3A_29 = vector.broadcast %add3A_28 : i32 to vector<16xi32>
    %add3A_30 = arith.addi %mul3A_5, %add3A_29 : vector<16xi32>
    %gather3A_31 = tpu.vector_load_idx %arg4[%add3A_30] : memref<672xf32, #tpu.memory_space<vmem>>[vector<16xi32>], vector<16xf32>,
    %le3A_32 = arith.constant 0.000000e+00 : f32
    %le3A_33 = vector.broadcast %le3A_32 : f32 to vector<16xf32>
    %le3A_34 = arith.cmpf ole, %gather3A_31, %le3A_33 : vector<16xf32>
    %jit3A_35 = arith.constant 1.000000e+00 : f32
    %jit3A_36 = arith.constant 0.000000e+00 : f32
    %broadcast_in_dim3A_37 = vector.broadcast %jit3A_35 : f32 to vector<16xf32>
    %broadcast_in_dim3A_38 = vector.broadcast %jit3A_36 : f32 to vector<16xf32>
    %select_n3A_39 = arith.select %le3A_34, %broadcast_in_dim3A_37, %broadcast_in_dim3A_38 : vector<16xi1>, vector<16xf32>
    %add3A_40 = arith.addf %add3A_27, %select_n3A_39 : vector<16xf32>
    %add3A_41 = arith.constant 3 : i32
    %add3A_42 = vector.broadcast %add3A_41 : i32 to vector<16xi32>
    %add3A_43 = arith.addi %mul3A_5, %add3A_42 : vector<16xi32>
    %gather3A_44 = tpu.vector_load_idx %arg4[%add3A_43] : memref<672xf32, #tpu.memory_space<vmem>>[vector<16xi32>], vector<16xf32>,
    %le3A_45 = arith.constant 0.000000e+00 : f32
    %le3A_46 = vector.broadcast %le3A_45 : f32 to vector<16xf32>
    %le3A_47 = arith.cmpf ole, %gather3A_44, %le3A_46 : vector<16xf32>
    %jit3A_48 = arith.constant 1.000000e+00 : f32
    %jit3A_49 = arith.constant 0.000000e+00 : f32
    %broadcast_in_dim3A_50 = vector.broadcast %jit3A_48 : f32 to vector<16xf32>
    %broadcast_in_dim3A_51 = vector.broadcast %jit3A_49 : f32 to vector<16xf32>
    %select_n3A_52 = arith.select %le3A_47, %broadcast_in_dim3A_50, %broadcast_in_dim3A_51 : vector<16xi1>, vector<16xf32>
    %add3A_53 = arith.addf %add3A_40, %select_n3A_52 : vector<16xf32>
    %add3A_54 = arith.constant 4 : i32
    %add3A_55 = vector.broadcast %add3A_54 : i32 to vector<16xi32>
    %add3A_56 = arith.addi %mul3A_5, %add3A_55 : vector<16xi32>
    %gather3A_57 = tpu.vector_load_idx %arg4[%add3A_56] : memref<672xf32, #tpu.memory_space<vmem>>[vector<16xi32>], vector<16xf32>,
    %le3A_58 = arith.constant 0.000000e+00 : f32
    %le3A_59 = vector.broadcast %le3A_58 : f32 to vector<16xf32>
    %le3A_60 = arith.cmpf ole, %gather3A_57, %le3A_59 : vector<16xf32>
    %jit3A_61 = arith.constant 1.000000e+00 : f32
    %jit3A_62 = arith.constant 0.000000e+00 : f32
    %broadcast_in_dim3A_63 = vector.broadcast %jit3A_61 : f32 to vector<16xf32>
    %broadcast_in_dim3A_64 = vector.broadcast %jit3A_62 : f32 to vector<16xf32>
    %select_n3A_65 = arith.select %le3A_60, %broadcast_in_dim3A_63, %broadcast_in_dim3A_64 : vector<16xi1>, vector<16xf32>
    %add3A_66 = arith.addf %add3A_53, %select_n3A_65 : vector<16xf32>
    %add3A_67 = arith.constant 224 : i32
    %add3A_68 = vector.broadcast %add3A_67 : i32 to vector<16xi32>
    %add3A_69 = arith.addi %mul3A_5, %add3A_68 : vector<16xi32>
    %gather3A_70 = tpu.vector_load_idx %arg4[%add3A_69] : memref<672xf32, #tpu.memory_space<vmem>>[vector<16xi32>], vector<16xf32>,
    %le3A_71 = arith.constant 0.000000e+00 : f32
    %le3A_72 = vector.broadcast %le3A_71 : f32 to vector<16xf32>
    %le3A_73 = arith.cmpf ole, %gather3A_70, %le3A_72 : vector<16xf32>
    %jit3A_74 = arith.constant 1.000000e+00 : f32
    %jit3A_75 = arith.constant 0.000000e+00 : f32
    %broadcast_in_dim3A_76 = vector.broadcast %jit3A_74 : f32 to vector<16xf32>
    %broadcast_in_dim3A_77 = vector.broadcast %jit3A_75 : f32 to vector<16xf32>
    %select_n3A_78 = arith.select %le3A_73, %broadcast_in_dim3A_76, %broadcast_in_dim3A_77 : vector<16xi1>, vector<16xf32>
    %add3A_79 = arith.addf %add3A_66, %select_n3A_78 : vector<16xf32>
    %add3A_80 = arith.constant 225 : i32
    %add3A_81 = vector.broadcast %add3A_80 : i32 to vector<16xi32>
    %add3A_82 = arith.addi %mul3A_5, %add3A_81 : vector<16xi32>
    %gather3A_83 = tpu.vector_load_idx %arg4[%add3A_82] : memref<672xf32, #tpu.memory_space<vmem>>[vector<16xi32>], vector<16xf32>,
    %le3A_84 = arith.constant 0.000000e+00 : f32
    %le3A_85 = vector.broadcast %le3A_84 : f32 to vector<16xf32>
    %le3A_86 = arith.cmpf ole, %gather3A_83, %le3A_85 : vector<16xf32>
    %jit3A_87 = arith.constant 1.000000e+00 : f32
    %jit3A_88 = arith.constant 0.000000e+00 : f32
    %broadcast_in_dim3A_89 = vector.broadcast %jit3A_87 : f32 to vector<16xf32>
    %broadcast_in_dim3A_90 = vector.broadcast %jit3A_88 : f32 to vector<16xf32>
    %select_n3A_91 = arith.select %le3A_86, %broadcast_in_dim3A_89, %broadcast_in_dim3A_90 : vector<16xi1>, vector<16xf32>
    %add3A_92 = arith.addf %add3A_79, %select_n3A_91 : vector<16xf32>
    %add3A_93 = arith.constant 226 : i32
    %add3A_94 = vector.broadcast %add3A_93 : i32 to vector<16xi32>
    %add3A_95 = arith.addi %mul3A_5, %add3A_94 : vector<16xi32>
    %gather3A_96 = tpu.vector_load_idx %arg4[%add3A_95] : memref<672xf32, #tpu.memory_space<vmem>>[vector<16xi32>], vector<16xf32>,
    %le3A_97 = arith.constant 0.000000e+00 : f32
    %le3A_98 = vector.broadcast %le3A_97 : f32 to vector<16xf32>
    %le3A_99 = arith.cmpf ole, %gather3A_96, %le3A_98 : vector<16xf32>
    %jit3A_100 = arith.constant 1.000000e+00 : f32
    %jit3A_101 = arith.constant 0.000000e+00 : f32
    %broadcast_in_dim3A_102 = vector.broadcast %jit3A_100 : f32 to vector<16xf32>
    %broadcast_in_dim3A_103 = vector.broadcast %jit3A_101 : f32 to vector<16xf32>
    %select_n3A_104 = arith.select %le3A_99, %broadcast_in_dim3A_102, %broadcast_in_dim3A_103 : vector<16xi1>, vector<16xf32>
    %add3A_105 = arith.addf %add3A_92, %select_n3A_104 : vector<16xf32>
    %add3A_106 = arith.constant 227 : i32
    %add3A_107 = vector.broadcast %add3A_106 : i32 to vector<16xi32>
    %add3A_108 = arith.addi %mul3A_5, %add3A_107 : vector<16xi32>
    %gather3A_109 = tpu.vector_load_idx %arg4[%add3A_108] : memref<672xf32, #tpu.memory_space<vmem>>[vector<16xi32>], vector<16xf32>,
    %le3A_110 = arith.constant 0.000000e+00 : f32
    %le3A_111 = vector.broadcast %le3A_110 : f32 to vector<16xf32>
    %le3A_112 = arith.cmpf ole, %gather3A_109, %le3A_111 : vector<16xf32>
    %jit3A_113 = arith.constant 1.000000e+00 : f32
    %jit3A_114 = arith.constant 0.000000e+00 : f32
    %broadcast_in_dim3A_115 = vector.broadcast %jit3A_113 : f32 to vector<16xf32>
    %broadcast_in_dim3A_116 = vector.broadcast %jit3A_114 : f32 to vector<16xf32>
    %select_n3A_117 = arith.select %le3A_112, %broadcast_in_dim3A_115, %broadcast_in_dim3A_116 : vector<16xi1>, vector<16xf32>
    %add3A_118 = arith.addf %add3A_105, %select_n3A_117 : vector<16xf32>
    %add3A_119 = arith.constant 228 : i32
    %add3A_120 = vector.broadcast %add3A_119 : i32 to vector<16xi32>
    %add3A_121 = arith.addi %mul3A_5, %add3A_120 : vector<16xi32>
    %gather3A_122 = tpu.vector_load_idx %arg4[%add3A_121] : memref<672xf32, #tpu.memory_space<vmem>>[vector<16xi32>], vector<16xf32>,
    %le3A_123 = arith.constant 0.000000e+00 : f32
    %le3A_124 = vector.broadcast %le3A_123 : f32 to vector<16xf32>
    %le3A_125 = arith.cmpf ole, %gather3A_122, %le3A_124 : vector<16xf32>
    %jit3A_126 = arith.constant 1.000000e+00 : f32
    %jit3A_127 = arith.constant 0.000000e+00 : f32
    %broadcast_in_dim3A_128 = vector.broadcast %jit3A_126 : f32 to vector<16xf32>
    %broadcast_in_dim3A_129 = vector.broadcast %jit3A_127 : f32 to vector<16xf32>
    %select_n3A_130 = arith.select %le3A_125, %broadcast_in_dim3A_128, %broadcast_in_dim3A_129 : vector<16xi1>, vector<16xf32>
    %add3A_131 = arith.addf %add3A_118, %select_n3A_130 : vector<16xf32>
    %add3A_132 = arith.constant 448 : i32
    %add3A_133 = vector.broadcast %add3A_132 : i32 to vector<16xi32>
    %add3A_134 = arith.addi %mul3A_5, %add3A_133 : vector<16xi32>
    %gather3A_135 = tpu.vector_load_idx %arg4[%add3A_134] : memref<672xf32, #tpu.memory_space<vmem>>[vector<16xi32>], vector<16xf32>,
    %le3A_136 = arith.constant 0.000000e+00 : f32
    %le3A_137 = vector.broadcast %le3A_136 : f32 to vector<16xf32>
    %le3A_138 = arith.cmpf ole, %gather3A_135, %le3A_137 : vector<16xf32>
    %jit3A_139 = arith.constant 1.000000e+00 : f32
    %jit3A_140 = arith.constant 0.000000e+00 : f32
    %broadcast_in_dim3A_141 = vector.broadcast %jit3A_139 : f32 to vector<16xf32>
    %broadcast_in_dim3A_142 = vector.broadcast %jit3A_140 : f32 to vector<16xf32>
    %select_n3A_143 = arith.select %le3A_138, %broadcast_in_dim3A_141, %broadcast_in_dim3A_142 : vector<16xi1>, vector<16xf32>
    %add3A_144 = arith.addf %add3A_131, %select_n3A_143 : vector<16xf32>
    %add3A_145 = arith.constant 449 : i32
    %add3A_146 = vector.broadcast %add3A_145 : i32 to vector<16xi32>
    %add3A_147 = arith.addi %mul3A_5, %add3A_146 : vector<16xi32>
    %gather3A_148 = tpu.vector_load_idx %arg4[%add3A_147] : memref<672xf32, #tpu.memory_space<vmem>>[vector<16xi32>], vector<16xf32>,
    %le3A_149 = arith.constant 0.000000e+00 : f32
    %le3A_150 = vector.broadcast %le3A_149 : f32 to vector<16xf32>
    %le3A_151 = arith.cmpf ole, %gather3A_148, %le3A_150 : vector<16xf32>
    %jit3A_152 = arith.constant 1.000000e+00 : f32
    %jit3A_153 = arith.constant 0.000000e+00 : f32
    %broadcast_in_dim3A_154 = vector.broadcast %jit3A_152 : f32 to vector<16xf32>
    %broadcast_in_dim3A_155 = vector.broadcast %jit3A_153 : f32 to vector<16xf32>
    %select_n3A_156 = arith.select %le3A_151, %broadcast_in_dim3A_154, %broadcast_in_dim3A_155 : vector<16xi1>, vector<16xf32>
    %add3A_157 = arith.addf %add3A_144, %select_n3A_156 : vector<16xf32>
    %add3A_158 = arith.constant 450 : i32
    %add3A_159 = vector.broadcast %add3A_158 : i32 to vector<16xi32>
    %add3A_160 = arith.addi %mul3A_5, %add3A_159 : vector<16xi32>
    %gather3A_161 = tpu.vector_load_idx %arg4[%add3A_160] : memref<672xf32, #tpu.memory_space<vmem>>[vector<16xi32>], vector<16xf32>,
    %le3A_162 = arith.constant 0.000000e+00 : f32
    %le3A_163 = vector.broadcast %le3A_162 : f32 to vector<16xf32>
    %le3A_164 = arith.cmpf ole, %gather3A_161, %le3A_163 : vector<16xf32>
    %jit3A_165 = arith.constant 1.000000e+00 : f32
    %jit3A_166 = arith.constant 0.000000e+00 : f32
    %broadcast_in_dim3A_167 = vector.broadcast %jit3A_165 : f32 to vector<16xf32>
    %broadcast_in_dim3A_168 = vector.broadcast %jit3A_166 : f32 to vector<16xf32>
    %select_n3A_169 = arith.select %le3A_164, %broadcast_in_dim3A_167, %broadcast_in_dim3A_168 : vector<16xi1>, vector<16xf32>
    %add3A_170 = arith.addf %add3A_157, %select_n3A_169 : vector<16xf32>
    %add3A_171 = arith.constant 451 : i32
    %add3A_172 = vector.broadcast %add3A_171 : i32 to vector<16xi32>
    %add3A_173 = arith.addi %mul3A_5, %add3A_172 : vector<16xi32>
    %gather3A_174 = tpu.vector_load_idx %arg4[%add3A_173] : memref<672xf32, #tpu.memory_space<vmem>>[vector<16xi32>], vector<16xf32>,
    %le3A_175 = arith.constant 0.000000e+00 : f32
    %le3A_176 = vector.broadcast %le3A_175 : f32 to vector<16xf32>
    %le3A_177 = arith.cmpf ole, %gather3A_174, %le3A_176 : vector<16xf32>
    %jit3A_178 = arith.constant 1.000000e+00 : f32
    %jit3A_179 = arith.constant 0.000000e+00 : f32
    %broadcast_in_dim3A_180 = vector.broadcast %jit3A_178 : f32 to vector<16xf32>
    %broadcast_in_dim3A_181 = vector.broadcast %jit3A_179 : f32 to vector<16xf32>
    %select_n3A_182 = arith.select %le3A_177, %broadcast_in_dim3A_180, %broadcast_in_dim3A_181 : vector<16xi1>, vector<16xf32>
    %add3A_183 = arith.addf %add3A_170, %select_n3A_182 : vector<16xf32>
    %add3A_184 = arith.constant 452 : i32
    %add3A_185 = vector.broadcast %add3A_184 : i32 to vector<16xi32>
    %add3A_186 = arith.addi %mul3A_5, %add3A_185 : vector<16xi32>
    %gather3A_187 = tpu.vector_load_idx %arg4[%add3A_186] : memref<672xf32, #tpu.memory_space<vmem>>[vector<16xi32>], vector<16xf32>,
    %le3A_188 = arith.constant 0.000000e+00 : f32
    %le3A_189 = vector.broadcast %le3A_188 : f32 to vector<16xf32>
    %le3A_190 = arith.cmpf ole, %gather3A_187, %le3A_189 : vector<16xf32>
    %jit3A_191 = arith.constant 1.000000e+00 : f32
    %jit3A_192 = arith.constant 0.000000e+00 : f32
    %broadcast_in_dim3A_193 = vector.broadcast %jit3A_191 : f32 to vector<16xf32>
    %broadcast_in_dim3A_194 = vector.broadcast %jit3A_192 : f32 to vector<16xf32>
    %select_n3A_195 = arith.select %le3A_190, %broadcast_in_dim3A_193, %broadcast_in_dim3A_194 : vector<16xi1>, vector<16xf32>
    %add3A_196 = arith.addf %add3A_183, %select_n3A_195 : vector<16xf32>
    %mul3A_197 = arith.constant 2 : i32
    %mul3A_198 = vector.broadcast %mul3A_197 : i32 to vector<16xi32>
    %mul3A_199 = arith.muli %mul3A_198, %iota3A : vector<16xi32>
    tpu.vector_store_idx %arg5[%mul3A_199], %add3A_196 : memref<32xf32, #tpu.memory_space<vmem>>[vector<16xi32>], vector<16xf32>,
    %mul3A_200 = arith.constant 2 : i32
    %mul3A_201 = vector.broadcast %mul3A_200 : i32 to vector<16xi32>
    %mul3A_202 = arith.muli %mul3A_201, %iota3A : vector<16xi32>
    %add3A_203 = arith.constant 1 : i32
    %add3A_204 = vector.broadcast %add3A_203 : i32 to vector<16xi32>
    %add3A_205 = arith.addi %mul3A_202, %add3A_204 : vector<16xi32>
    %sub3A = arith.constant 1.500000e+01 : f32
    %sub3A_206 = vector.broadcast %sub3A : f32 to vector<16xf32>
    %sub3A_207 = arith.subf %sub3A_206, %add3A_196 : vector<16xf32>
    tpu.vector_store_idx %arg5[%add3A_205], %sub3A_207 : memref<32xf32, #tpu.memory_space<vmem>>[vector<16xi32>], vector<16xf32>,
    %mul3A_208 = arith.constant 32 : i32
    %mul3A_209 = arith.muli %arg1, %mul3A_208 : i32
    "tpu.region"() ({
      %run_scoped3A = tpu.sem_alloc : memref<!tpu.dma_semaphore, #tpu.memory_space<semaphore_mem>>
      %dma_start3A = tpu.memref_slice %arg3[%mul3A_209] : memref<512xf32, #tpu.memory_space<hbm>> -> memref<32xf32, #tpu.memory_space<hbm>>
      %dma_start3A_210 = tpu.memref_slice %arg3[%mul3A_209] : memref<512xf32, #tpu.memory_space<hbm>> -> memref<32xf32, #tpu.memory_space<hbm>>
      tpu.enqueue_dma source(%arg5 : memref<32xf32, #tpu.memory_space<vmem>>) target(%dma_start3A_210 : memref<32xf32, #tpu.memory_space<hbm>>) target_semaphore(%run_scoped3A : memref<!tpu.dma_semaphore, #tpu.memory_space<semaphore_mem>>)
      %dma_wait3A = tpu.memref_slice %arg3[%mul3A_209] : memref<512xf32, #tpu.memory_space<hbm>> -> memref<32xf32, #tpu.memory_space<hbm>>
      %dma_wait3A_211 = tpu.memref_slice %arg3[%mul3A_209] : memref<512xf32, #tpu.memory_space<hbm>> -> memref<32xf32, #tpu.memory_space<hbm>>
      tpu.wait_dma2 semaphore(%run_scoped3A : memref<!tpu.dma_semaphore, #tpu.memory_space<semaphore_mem>>) src(%arg5 : memref<32xf32, #tpu.memory_space<vmem>>) dst(%dma_wait3A_211 : memref<32xf32, #tpu.memory_space<hbm>>)
      tpu.yield
    }) : () -> ()
    return
  }
}

</mosaic_0001>

<sc_bundles>
// kernel: kernel.3.cloned.1.call-start
scs
__scs_entry_jumppad:
0x0: {  	(pc) =	sbr.rel $0x88, $3  }
0x1: {  	(tag) =	ssettag $0x0;
	lr =	simm.s32 $0x1  }
0x2: {  	[smem:$0x3FA0] =	sst lr;
	_ =	strace $0xD0000000  }
0x3: {  	_ = 	snop  }
0x4: {  	_ = 	snop  }
0x5: {  	_ = 	snop  }
0x6: {  	_ = 	snop  }
0x7: {  	_ = 	snop  }
__scs_overlays_trampoline_lowered:
0x8: {  	[smem:$0x3FAF] =	sst s0  }
0x9: {  	[smem:$0x3FB0] =	sst s1  }
0xa: {  	[smem:$0x3FB1] =	sst s2  }
0xb: {  	[smem:$0x3FB2] =	sst s3  }
0xc: {  	[smem:$0x3FB3] =	sst s4  }
0xd: {  	[smem:$0x3FB4] =	sst s5  }
0xe: {  	[smem:$0x3FB5] =	sst s6  }
0xf: {  	[smem:$0x3FB6] =	sst s7  }
0x10: {  	[smem:$0x3FB7] =	sst s8  }
0x11: {  	[smem:$0x3FB8] =	sst s9;
	s0 =	simm.s32 @!p0 $0x0  }
0x12: {  	s1 =	sld [smem:$0x3F9E];
	s0 =	simm.s32 @p0 $0x1  }
0x13: {  	[smem:$0x3FB9] =	sst s0;
	s0 =	simm.s32 @!p1 $0x0  }
0x14: {  	s2 =	sld [smem:$0x3F9D];
	s0 =	simm.s32 @p1 $0x1  }
0x15: {  	[smem:$0x3FBA] =	sst s0;
	s0 =	simm.s32 @!p2 $0x0  }
0x16: {  	s3 =	sld [smem:$0x3FDB];
	s0 =	simm.s32 @p2 $0x1  }
0x17: {  	s4 =	simm.s32 $0x1BF5;
	[smem:$0x3FBC] =	sst s0  }
0x18: {  	s0 =	sld [smem:$0x3F9F];
	_ =	swait.ge [sflag:s4], $0x0  }
0x19: {  	s7 =	sld [smem:$0x3FA0]  }
0x1a: {  	s8 =	sadd.s32 $0xFFFFE003, lr  }
0x1b: {  	s9 =	sadd.s32 $0xFFFFFEF7, lr;
	s5 =	simm.s32 $0xFFFFFFFF;
	p2 =	slt.u32 s8, $0xFFFFF086  }
0x1c: {  	p1 =	slt.u32 s9, $0xF7A;
	s5 =	simm.s32 @!p2 $0x0  }
0x1d: {  	s5 =	simm.s32 @p1 $0x1;
	p0 =	seq.s32 s7, s2  }
0x1e: {  	s7 =	smul.u32 @!p0 $0xF7A, s2;
	p2 =	seq.s32 @!p0 s5, $0x0  }
0x1f: {  	s9 =	smul.u32 $0xF7A, s1;
	s8 =	simm.s32 @!p0 $0x1BF5;
	p2 =	por !p2, p0  }
0x20: {  	[sflag:s8] =	ssyncset.s32 @!p0 $0xFFFFF086;
	s6 =	sadd.s32 @!p0 s3, s7;
	s7 =	simm.s32 @!p0 $0x108  }
0x21: {  	s3 =	sadd.s32 s3, s9;
	s6 =	sadd.s32 @!p0 $0x88, s6;
	s7 =	simm.s32 @p2 $0x1082  }
0x22: {  	[simem:s7], [sflag:s8] =	dma.local @!p0 [hbm:s6], $0xF7A  }
0x23: {  	s9 =	sor.u32 $0xD0000000, s2;
	s6 =	simm.s32 $0x108;
	_ =	swait.ge @!p0 [sflag:s8], $0x0  }
0x24: {  	s3 =	sadd.s32 $0x88, s3;
	s6 =	simm.s32 @!p1 $0x1082;
	[sflag:s4] =	ssyncset.s32 $0xFFFFF086  }
0x25: {  	[simem:s6], [sflag:s4] =	dma.local [hbm:s3], $0xF7A  }
0x26: {  	[smem:$0x3FA0] =	sst s1;
	(tag) =	ssettag s2;
	_ =	strace s9  }
0x27: {  	s1 =	sld [smem:$0x3FB0]  }
0x28: {  	s2 =	sld [smem:$0x3FB1]  }
0x29: {  	s4 =	sld [smem:$0x3FB3]  }
0x2a: {  	p0 =	seq.s32 s5, $0x0;
	s5 =	sld [smem:$0x3FB4]  }
0x2b: {  	s6 =	sld [smem:$0x3FB5]  }
0x2c: {  	s7 =	sld [smem:$0x3FB6]  }
0x2d: {  	s3 =	simm.s32 $0x108;
	s8 =	sld [smem:$0x3FB7]  }
0x2e: {  	s3 =	simm.s32 @!p0 $0x1082;
	s9 =	sld [smem:$0x3FB8]  }
0x2f: {  	lr =	sadd.s32 s0, s3;
	s0 =	sld [smem:$0x3FAF]  }
0x30: {  	s3 =	sld [smem:$0x3FB2]  }
0x31: {  	[smem:$0x3FBB] =	sst s10  }
0x32: {  	s10 =	sld [smem:$0x3FB9];
	_ =	sdelay $0x3  }
0x33: {  	p0 =	seq.s32 s10, $0x1;
	s10 =	sld [smem:$0x3FBB];
	_ =	sdelay $0x3  }
0x34: {  	[smem:$0x3FBB] =	sst s10  }
0x35: {  	s10 =	sld [smem:$0x3FBA];
	_ =	sdelay $0x3  }
0x36: {  	p1 =	seq.s32 s10, $0x1;
	s10 =	sld [smem:$0x3FBB];
	_ =	sdelay $0x3  }
0x37: {  	[smem:$0x3FBB] =	sst s10  }
0x38: {  	s10 =	sld [smem:$0x3FBC]  }
0x39: {  	_ = 	snop;
	(pc) =	sbr.ind lr, $3  }
0x3a: {  	_ = 	snop  }
0x3b: {  	_ = 	snop  }
0x3c: {  	p2 =	seq.s32 s10, $0x1;
	s10 =	sld [smem:$0x3FBB]  }
0x3d: {  	_ =	shalt  }
0x3e: {  	_ =	shalt  }
0x3f: {  	_ =	shalt  }
0x40: {  	_ =	shalt  }
0x41: {  	_ =	shalt  }
0x42: {  	_ =	shalt  }
0x43: {  	_ =	shalt  }
0x44: {  	_ =	shalt  }
0x45: {  	_ =	shalt  }
0x46: {  	_ =	shalt  }
0x47: {  	_ =	shalt  }
0x48: {  	_ =	shalt  }
0x49: {  	_ =	shalt  }
0x4a: {  	_ =	shalt  }
0x4b: {  	_ =	shalt  }
0x4c: {  	_ =	shalt  }
0x4d: {  	_ =	shalt  }
0x4e: {  	_ =	shalt  }
0x4f: {  	_ =	shalt  }
0x50: {  	_ =	shalt  }
0x51: {  	_ =	shalt  }
0x52: {  	_ =	shalt  }
0x53: {  	_ =	shalt  }
0x54: {  	_ =	shalt  }
0x55: {  	_ =	shalt  }
0x56: {  	_ =	shalt  }
0x57: {  	_ =	shalt  }
0x58: {  	_ =	shalt  }
0x59: {  	_ =	shalt  }
0x5a: {  	_ =	shalt  }
0x5b: {  	_ =	shalt  }
0x5c: {  	_ =	shalt  }
0x5d: {  	_ =	shalt  }
0x5e: {  	_ =	shalt  }
0x5f: {  	_ =	shalt  }
0x60: {  	_ =	shalt  }
0x61: {  	_ =	shalt  }
0x62: {  	_ =	shalt  }
0x63: {  	_ =	shalt  }
0x64: {  	_ =	shalt  }
0x65: {  	_ =	shalt  }
0x66: {  	_ =	shalt  }
0x67: {  	_ =	shalt  }
0x68: {  	_ =	shalt  }
0x69: {  	_ =	shalt  }
0x6a: {  	_ =	shalt  }
0x6b: {  	_ =	shalt  }
0x6c: {  	_ =	shalt  }
0x6d: {  	_ =	shalt  }
0x6e: {  	_ =	shalt  }
0x6f: {  	_ =	shalt  }
0x70: {  	_ =	shalt  }
0x71: {  	_ =	shalt  }
0x72: {  	_ =	shalt  }
0x73: {  	_ =	shalt  }
0x74: {  	_ =	shalt  }
0x75: {  	_ =	shalt  }
0x76: {  	_ =	shalt  }
0x77: {  	_ =	shalt  }
0x78: {  	_ =	shalt  }
0x79: {  	_ =	shalt  }
0x7a: {  	_ =	shalt  }
0x7b: {  	_ =	shalt  }
0x7c: {  	_ =	shalt  }
0x7d: {  	_ =	shalt  }
0x7e: {  	_ =	shalt  }
0x7f: {  	_ =	shalt  }
0x80: {  	_ =	shalt  }
0x81: {  	_ =	shalt  }
0x82: {  	_ =	shalt  }
0x83: {  	_ =	shalt  }
0x84: {  	_ =	shalt  }
0x85: {  	_ =	shalt  }
0x86: {  	_ =	shalt  }
0x87: {  	_ =	shalt  }
.Lfunc_end0:
.L_simem_size_0:
called_computation_lowered:
.L_overlay_start_0:
0x88: {  	s0 =	sld [smem:$0x3FD9]  }
0x89: {  	s1 =	sld [smem:$0x3FFE];
	_ =	sdelay $0x3  }
0x8a: {  	s0 =	sadd.s32 s1, s0  }
0x8b: {  	[smem:$0x3FC7] =	sst s0  }
0x8c: {  	_ = 	snop  }
0x8d: {  	s0 =	sld [smem:$0x3FD0];
	(tm) =	ssettm $0x1  }
0x8e: {  	s16 =	sld [smem:$0x3FFB];
	_ =	sdelay $0x3  }
0x8f: {  	_ =	strace s16  }
0x90: {  	s1 =	sld [smem:$0x3FFC];
	_ =	sdelay $0x3  }
0x91: {  	_ =	strace s1  }
0x92: {  	s1 =	sld [smem:$0x3FFD];
	_ =	sdelay $0x3  }
0x93: {  	_ =	strace s1  }
0x94: {  	_ =	strace $0x8FFFFFFF  }
0x95: {  	s17 =	sld [smem:$0x3FDB];
	_ =	sdelay $0x1  }
0x96: {  	s2 =	simm.s32 $_scs_section_size  }
0x97: {  	s3 =	simm.s32 $_size__tile_overlayer_lowered;
	s4 =	simm.s32 $_tile_overlayer_lowered  }
0x98: {  	s20 =	simm.s32 $0x1BFF;
	s19 =	sshll.u32 s4, $0x1;
	s1 =	sadd.s32 s2, s17  }
0x99: {  	s5 =	simm.s32 $0x0;
	s18 =	sshll.u32 s3, $0x1;
	s3 =	sadd.s32 s19, s1  }
0x9a: {  	[timem:s5], [sflag:s20] =	dma.local [hbm:s3], s18  }
0x9b: {  	_ =	swait.ge [sflag:s20], s18  }
0x9c: {  	s2 =	ssub.s32 $0x0, s18;
	[sflag:s20] =	ssyncset.done $0x0  }
0x9d: {  	[sflag:s20] =	ssyncadd.s32 s2;
	_ =	sdelay $0x1  }
0x9e: {  	s21 =	simm.s32 $0x1B8B  }
0x9f: {  	_ =	swait.ge [sflag:s21], $0x1  }
0xa0: {  	[sflag:s21] =	ssyncset.done $0x0  }
0xa1: {  	s23 =	simm.s32 $0x1B8E;
	s22 =	sld [smem:$0x3FFE];
	[sflag:s21] =	ssyncadd.s32 $0xFFFFFFFF  }
0xa2: {  	s24 =	simm.s32 $execute0_lowered;
	[smem:$0x3FD2] =	sst s23  }
0xa3: {  	s3 =	sshll.u32 s24, $0x1;
	_ =	strace $0x80000046;
	[dreg:$0x1] =	wrdreg $0xFFFFFFFF  }
0xa4: {  	s25 =	simm.s32 $_size_execute0_lowered;
	s1 =	sadd.s32 s1, s3;
	[dreg:$0x0] =	wrdreg $0x0  }
0xa5: {  	s3 =	sshll.u32 s25, $0x1;
	[dreg:$0x2] =	wrdreg s1  }
0xa6: {  	[dreg:$0x3] =	wrdreg s3  }
0xa7: {  	[dreg:$0x4] =	wrdreg $0xC0  }
0xa8: {  	_ =	task [dreg:s5], $0x5FFFF  }
0xa9: {  	[dreg:$0x1] =	wrdreg $0xFFFFFFFF  }
0xaa: {  	[dreg:$0x0] =	wrdreg $0x60  }
0xab: {  	[dreg:$0x2] =	wrdreg s22  }
0xac: {  	[dreg:$0x3] =	wrdreg s0  }
0xad: {  	[dreg:$0x4] =	wrdreg $0x9  }
0xae: {  	_ =	task.clear_ibuf [dreg:s5], $0x5FFFF;
	_ =	strace $0x90000046  }
0xaf: {  	s26 =	simm.s32 $0x9;
	_ =	strace $0x80000048  }
0xb0: {  	_ =	swait.ge [sflag:s26], $0x1  }
0xb1: {  	[sflag:s26] =	ssyncadd.s32 $0xFFFFFFFF  }
0xb2: {  	_ =	strace $0x90000048  }
0xb3: {  	_ =	sfence  }
0xb4: {  	s28 =	sld [smem:$0x0];
	_ =	sdelay $0x1  }
0xb5: {  	s29 =	srdreg.scid  }
0xb6: {  	s30 =	sshll.u32 s29, $0xD;
	s31 =	sshrl.u32 s29, $0x2  }
0xb7: {  	s2 =	sand.u32 $0x4000, s30;
	s1 =	sand.u32 $0x1, s29;
	s0 =	sadd.s32 s31, s28  }
0xb8: {  	s1 =	sor.u32 s2, s1;
	s0 =	sshll.u32 s0, $0x11  }
0xb9: {  	s0 =	sor.u32 s0, s1  }
0xba: {  	s0 =	sadd.s32 $0x8F2B, s0  }
0xbb: {  	[sflag:s0] =	ssyncadd.remote.s32 $0x1  }
0xbc: {  	_ =	sfence.sel $0xFFFF  }
0xbd: {  	[dreg:$0x0] =	wrdreg $0xFFFFFFFF;
	(pc) =	sbr.abs _section_cstart, $3  }
0xbe: {  	[dreg:$0x1] =	wrdreg $0xFFFFFFFF  }
0xbf: {  	_ =	task.clear_ibuf [dreg:s5], $0x2FFFF;
	_ =	strace $0x9FFFFFFF  }
0xc0: {  	(tm) =	ssettm $0x7FFFFFFF  }
0xc1: {  	_ =	shalt  }
tec
execute0_lowered:
.L_overlay_start_1:
0x0: {  	(tag) =	ssettag $0x1  }
0x1: {  	s4 =	rddreg [dreg:$0x0];
	s0 =	stileid.u32  }
0x2: {  	s2 =	rddreg [dreg:$0x1];
	s5 =	smul.u32 $0x188, s0  }
0x3: {  	s1 =	rddreg [dreg:$0x2];
	s3 =	simm.s32 $0x0;
	v0 =	vlaneseq.u32  }
0x4: {  	[smem:$0x7FF] =	sst s3;
	v1 =	vmul.u32 $0xE, v0;
	s4 =	sadd.s32 s5, s4  }
0x5: {  	s30 =	simm.s32 $0x1;
	_ =	strace $0x80000047;
	s4 =	sadd.s32 $0x400, s4  }
0x6: {  	v2 =	vor.u32 $0x1, v1;
	[tilespmem:s3], [sflag:$0x1] =	stream.linear.gather [hbm4b:s4+s3], $0x2A0, $0x38;
	[tilespmem:$0x380] =	vst v63  }
0x7: {  	_ =	swait.ge [sflag:s30], $0x2A0  }
0x8: {  	v3 =	vadd.s32 $0x2, v1;
	[sflag:s30] =	ssyncset.done $0x0  }
0x9: {  	[sflag:s30] =	ssyncadd.s32 $0xFFFFFD60  }
0xa: {  	v5 =	vadd.s32 $0x3, v1;
	v4 =	vld.idx.msk [tilespmem:v1+s3+$0x0], $0xffff  }
0xb: {  	v2 =	vld.idx.msk [tilespmem:v2+s3+$0x0], $0xffff  }
0xc: {  	v6 =	vadd.s32 $0x4, v1  }
0xd: {  	v3 =	vld.idx.msk [tilespmem:v3+s3+$0x0], $0xffff  }
0xe: {  	v7 =	vadd.s32 $0xE0, v1  }
0xf: {  	v46 =	vimm.f32 $0.0e+00;
	v45 =	vld.idx.msk [tilespmem:v5+s3+$0x0], $0xffff  }
0x10: {  	v47 =	vadd.s32 $0xE1, v1;
	vm0 =	vle.f32 v4, $0.0e+00;
	vm1 =	vle.f32 v2, $0.0e+00  }
0x11: {  	v6 =	vld.idx.msk [tilespmem:v6+s3+$0x0], $0xffff;
	v8 =	vsel vm0, $0x3F800000, v46;
	v9 =	vsel vm1, $0x3F800000, v46  }
0x12: {  	v48 =	vadd.s32 $0xE2, v1;
	vm15 =	vle.f32 v3, $0.0e+00;
	v8 =	vadd.f32 v9, v8  }
0x13: {  	v7 =	vld.idx.msk [tilespmem:v7+s3+$0x0], $0xffff;
	v49 =	vsel vm15, $0x3F800000, v46  }
0x14: {  	v50 =	vadd.s32 $0xE3, v1;
	vm4 =	vle.f32 v45, $0.0e+00;
	v8 =	vadd.f32 v49, v8  }
0x15: {  	v2 =	vld.idx.msk [tilespmem:v47+s3+$0x0], $0xffff;
	v51 =	vsel vm4, $0x3F800000, v46  }
0x16: {  	v52 =	vadd.s32 $0xE4, v1;
	vm5 =	vle.f32 v6, $0.0e+00;
	v8 =	vadd.f32 v51, v8  }
0x17: {  	v3 =	vld.idx.msk [tilespmem:v48+s3+$0x0], $0xffff;
	v53 =	vsel vm5, $0x3F800000, v46  }
0x18: {  	v54 =	vadd.s32 $0x1C0, v1;
	vm6 =	vle.f32 v7, $0.0e+00;
	v8 =	vadd.f32 v53, v8  }
0x19: {  	v4 =	vld.idx.msk [tilespmem:v50+s3+$0x0], $0xffff;
	v55 =	vsel vm6, $0x3F800000, v46  }
0x1a: {  	v56 =	vadd.s32 $0x1C1, v1;
	vm7 =	vle.f32 v2, $0.0e+00;
	v8 =	vadd.f32 v55, v8  }
0x1b: {  	v6 =	vld.idx.msk [tilespmem:v52+s3+$0x0], $0xffff;
	v57 =	vsel vm7, $0x3F800000, v46  }
0x1c: {  	v58 =	vadd.s32 $0x1C2, v1;
	vm8 =	vle.f32 v3, $0.0e+00;
	v8 =	vadd.f32 v57, v8  }
0x1d: {  	v7 =	vld.idx.msk [tilespmem:v54+s3+$0x0], $0xffff;
	v59 =	vsel vm8, $0x3F800000, v46  }
0x1e: {  	v60 =	vadd.s32 $0x1C3, v1;
	vm9 =	vle.f32 v4, $0.0e+00;
	v8 =	vadd.f32 v59, v8  }
0x1f: {  	v2 =	vld.idx.msk [tilespmem:v56+s3+$0x0], $0xffff;
	v61 =	vsel vm9, $0x3F800000, v46  }
0x20: {  	v1 =	vadd.s32 $0x1C4, v1;
	vm10 =	vle.f32 v6, $0.0e+00;
	v8 =	vadd.f32 v61, v8  }
0x21: {  	v3 =	vld.idx.msk [tilespmem:v58+s3+$0x0], $0xffff;
	v6 =	vsel vm10, $0x3F800000, v46  }
0x22: {  	vm11 =	vle.f32 v7, $0.0e+00;
	v6 =	vadd.f32 v6, v8  }
0x23: {  	v4 =	vld.idx.msk [tilespmem:v60+s3+$0x0], $0xffff;
	v7 =	vsel vm11, $0x3F800000, v46  }
0x24: {  	vm12 =	vle.f32 v2, $0.0e+00;
	v6 =	vadd.f32 v7, v6  }
0x25: {  	v1 =	vld.idx.msk [tilespmem:v1+s3+$0x0], $0xffff;
	v2 =	vsel vm12, $0x3F800000, v46  }
0x26: {  	vm13 =	vle.f32 v3, $0.0e+00;
	v2 =	vadd.f32 v2, v6  }
0x27: {  	v3 =	vsel vm13, $0x3F800000, v46  }
0x28: {  	vm14 =	vle.f32 v4, $0.0e+00;
	v2 =	vadd.f32 v3, v2  }
0x29: {  	v0 =	vmul.u32 $0x2, v0;
	v62 =	vsel vm14, $0x3F800000, v46  }
0x2a: {  	vm15 =	vle.f32 v1, $0.0e+00;
	v2 =	vadd.f32 v62, v2  }
0x2b: {  	v63 =	vor.u32 $0x1, v0;
	v1 =	vsel vm15, $0x3F800000, v46  }
0x2c: {  	v1 =	vadd.f32 v1, v2;
	_ =	sdelay $0x1  }
0x2d: {  	s31 =	simm.s32 $0x300;
	v2 =	vsub.f32 $1.500000000e+01, v1  }
0x2e: {  	s6 =	sshll.u32 s0, $0x2;
	[tilespmem:v0+s31+$0x0] =	vst.idx.msk $0xffff, v1  }
0x2f: {  	s2 =	sadd.s32 s2, s6;
	[tilespmem:v63+s31+$0x0] =	vst.idx.msk $0xffff, v2  }
0x30: {  	[hbm4b:s2+s3] =	stream.linear.scatter [tilespmem:s31], [sflag:$0x1], $0x20, $0x38;
	[tilespmem:$0x380] =	vst v63  }
0x31: {  	_ =	swait.ge [sflag:s30], $0x20  }
0x32: {  	[sflag:s30] =	ssyncset.done $0x0  }
0x33: {  	[sflag:s30] =	ssyncadd.s32 $0xFFFFFFE0  }
0x34: {  	_ =	sfence.sel $0x180000  }
0x35: {  	[bflag:$0x0] =	sbarrier.arrive $0xFFFF  }
0x36: {  	p0 =	sne.s32 s0, $0x0;
	_ =	strace $0x90000047  }
0x37: {  	s0 =	sadd.s32 @!p0 $0x100000, s1;
	[bflag:$0x2] =	sbarrier.arrive $0xFFFF  }
0x38: {  	[sflag:s0] =	ssyncadd.tile.s32 @!p0 $0x1;
	_ =	shalt  }
.Lfunc_end2:
_tile_overlayer_lowered:
.L_overlay_start_2:
0x39: {  	(tag) =	ssettag $0x2  }
0x3a: {  	s0 =	rddreg [dreg:$0x0];
	s2 =	stileid.u32  }
0x3b: {  	s1 =	rddreg [dreg:$0x1];
	p0 =	sne.s32 s2, $0x0  }
0x3c: {  	s3 =	rddreg [dreg:$0x2];
	[bflag:$0x3] =	sbarrier.arrive $0xFFFF;
	s2 =	simm.s32 @!p0 $0x1C01  }
0x3d: {  	[timem:s3], [sflag:s2] =	dma.local @!p0 [hbm:s0], s1  }
0x3e: {  	s0 =	simm.s32 @!p0 $0x1  }
0x3f: {  	_ =	swait.ge @!p0 [sflag:s0], s1  }
0x40: {  	s1 =	ssub.s32 @!p0 $0x0, s1;
	[sflag:s0] =	ssyncset.done @!p0 $0x0  }
0x41: {  	[sflag:s0] =	ssyncadd.s32 @!p0 s1  }
0x42: {  	[bflag:$0x3] =	sbarrier.arrive $0xFFFF  }
0x43: {  	_ =	shalt  }

</sc_bundles>
